<compile_context>
chip_gen: v7x
topology: tpu7x:2x2x1
jax: 0.10.2.dev20260603
libtpu: 0.0.44.dev20260713+nightly
codegen_flags: <defaults>
</compile_context>

<pallas_src>
import jax
import jax.numpy as jnp
from jax import lax
from jax.experimental import pallas as pl
from jax.experimental.pallas import tpu as pltpu
from jax.experimental.pallas import tpu_sc as plsc

_B, _C, _H, _W = 8, 128, 128, 128
_F = 32
_P = 2
_NC = 2
_RPW = 8


def _weff_sc_body(wt_hbm, idx_hbm, out_hbm, idx_v, wt_v, sem):
    wid = lax.axis_index("s") * _NC + lax.axis_index("c")

    @pl.when(wid < _C // _RPW)
    def _():
        base = wid * _RPW
        pltpu.sync_copy(idx_hbm.at[pl.ds(base, _RPW)], idx_v)
        pltpu.sync_copy(wt_hbm.at[pl.ds(base, _RPW)], wt_v)
        pltpu.async_copy(wt_v, out_hbm.at[idx_v], sem).wait()


def _weff_sc(wt, idx):
    mesh = plsc.VectorSubcoreMesh(core_axis_name="c", subcore_axis_name="s")
    k = pl.kernel(
        _weff_sc_body,
        mesh=mesh,
        out_type=jax.ShapeDtypeStruct((_C, 128), jnp.float32),
        scratch_types=[
            pltpu.VMEM((_RPW,), jnp.int32),
            pltpu.VMEM((_RPW, 128), jnp.float32),
            pltpu.SemaphoreType.DMA,
        ],
    )
    return k(wt, idx)


def _gemm_kernel(wt_ref, x_ref, o_ref):
    w_hi = jnp.swapaxes(wt_ref[:, :_F], 0, 1).astype(jnp.bfloat16)
    zero = jnp.zeros((_F, _C), jnp.bfloat16)
    w2 = jnp.concatenate(
        [jnp.concatenate([w_hi if i == j else zero for j in range(_P)], axis=1)
         for i in range(_P)], axis=0)

    xt = jnp.swapaxes(x_ref[0].astype(jnp.bfloat16), 0, 1)
    xr = xt.reshape(_H * _C, _W)
    outs = []
    for h2 in range(_H // _P):
        seg = xr[h2 * _P * _C:(h2 + 1) * _P * _C, :]
        outs.append(jnp.dot(w2, seg, preferred_element_type=jnp.float32))
    ot = jnp.concatenate(outs, axis=0).reshape(_H, _F, _W)
    o_ref[0] = jnp.swapaxes(ot, 0, 1)


def kernel(x, weights, channel_idx):
    wt = jnp.pad(weights.reshape(_F, _C).T, ((0, 0), (0, 128 - _F)))
    weff_t = _weff_sc(wt, channel_idx)
    out = pl.pallas_call(
        _gemm_kernel,
        grid=(_B,),
        in_specs=[
            pl.BlockSpec((_C, 128), lambda b: (0, 0)),
            pl.BlockSpec((1, _C, _H, _W), lambda b: (b, 0, 0, 0)),
        ],
        out_specs=pl.BlockSpec((1, _F, _H, _W), lambda b: (b, 0, 0, 0)),
        out_shape=jax.ShapeDtypeStruct((_B, _F, _H, _W), jnp.float32),
    )(weff_t, x)
    return out

# --- scband reference (transcript-rebuilt; emitter-appended) ---
"""Pipeline reference for scband-decent-layer-89292370084296 (READ-ONLY COPY).

The authoritative reference and input builder live on the scoring server;
editing this copy changes nothing except your own understanding.
"""

import jax, jax.numpy as jnp
import numpy as np

B, C_IN, H, W_SP = 8, 128, 128, 128
N_FILTERS = 32
KH = KW = 1

# grid positions of input channels (ms_in/ns_in from init_kwargs); the channel
# ordering of x follows the ms_in/ns_in list order, so the per-filter channel
# gather is an index lookup over axis 1.
MS_IN = np.array([i // 12 for i in range(C_IN)], dtype=np.int32)
NS_IN = np.array([i % 12 for i in range(C_IN)], dtype=np.int32)


def setup_inputs(seed: int = 0) -> dict:
    key = jax.random.key(seed)
    k1, k2 = jax.random.split(key)
    x = jax.random.normal(k1, (B, C_IN, H, W_SP), dtype=jnp.float32)
    # stacked DecentFilter weights: each filter has weights [1, C_in, kh, kw];
    # all filters share the same ms_in/ns_in channel set at init time, so they
    # stack into a single [n_filters, C_in, kh, kw] kernel.
    weights = jax.random.normal(k2, (N_FILTERS, C_IN, KH, KW), dtype=jnp.float32) * 0.05
    channel_idx = jnp.arange(C_IN, dtype=jnp.int32)
    return {"x": x, "weights": weights, "channel_idx": channel_idx}


def reference(x, weights, channel_idx):
    # gather the input channels selected by the filter geometry (SparseCore gather)
    xg = jnp.take(x, channel_idx, axis=1)
    # each DecentFilter is a conv producing one output channel; stacked -> one conv
    out = jax.lax.conv_general_dilated(
        xg, weights,
        window_strides=(1, 1),
        padding='VALID',
        dimension_numbers=('NCHW', 'OIHW', 'NCHW'))
    return out

if __name__ == "__main__":
    import jax
    _d = setup_inputs()
    print(jax.jit(kernel)(*tuple(_d.values())))

</pallas_src>

<mosaic_0001>
#map = affine_map<(d0, d1) -> (0, 0)>
#map1 = affine_map<(d0, d1) -> (0)>
module attributes {stable_mosaic.version = 14 : i64} {
  func.func @_weff_sc_body(%arg0: i32, %arg1: i32, %arg2: memref<128x128xf32, #tpu.memory_space<hbm>>, %arg3: memref<128xi32, #tpu.memory_space<hbm>>, %arg4: memref<128x128xf32, #tpu.memory_space<hbm>>, %arg5: memref<8xi32, #tpu.memory_space<vmem>>, %arg6: memref<8x128xf32, #tpu.memory_space<vmem>>, %arg7: memref<!tpu.dma_semaphore, #tpu.memory_space<semaphore_mem>>) attributes {dimension_semantics = [#tpu.dimension_semantics<core_parallel>, #tpu.dimension_semantics<subcore_parallel>], iteration_bounds = array<i64: 2, 16>, scalar_prefetch = 0 : i64, scratch_operands = 3 : i64, tpu.core_type = #tpu.core_type<sc_vector_subcore>, window_params = [{transform_indices = #map}, {transform_indices = #map1}, {transform_indices = #map}]} {
    %mul3A = arith.constant 2 : i32
    %mul3A_0 = arith.muli %arg1, %mul3A : i32
    %add3A = arith.addi %mul3A_0, %arg0 : i32
    %lt3A = arith.constant 16 : i32
    %lt3A_1 = arith.cmpi slt, %add3A, %lt3A : i32
    %convert_element_type3A = arith.extui %lt3A_1 : i1 to i32
    %cond3A = arith.constant 0 : i32
    %cond3A_2 = arith.cmpi ne, %convert_element_type3A, %cond3A : i32
    scf.if %cond3A_2 {
      %mul3A_3 = arith.constant 8 : i32
      %mul3A_4 = arith.muli %add3A, %mul3A_3 : i32
      "tpu.region"() ({
        %run_scoped3A = tpu.sem_alloc : memref<!tpu.dma_semaphore, #tpu.memory_space<semaphore_mem>>
        %dma_start3A_9 = tpu.memref_slice %arg3[%mul3A_4] : memref<128xi32, #tpu.memory_space<hbm>> -> memref<8xi32, #tpu.memory_space<hbm>>
        %dma_start3A_10 = tpu.memref_slice %arg3[%mul3A_4] : memref<128xi32, #tpu.memory_space<hbm>> -> memref<8xi32, #tpu.memory_space<hbm>>
        tpu.enqueue_dma source(%dma_start3A_10 : memref<8xi32, #tpu.memory_space<hbm>>) target(%arg5 : memref<8xi32, #tpu.memory_space<vmem>>) target_semaphore(%run_scoped3A : memref<!tpu.dma_semaphore, #tpu.memory_space<semaphore_mem>>)
        %dma_wait3A_11 = tpu.memref_slice %arg3[%mul3A_4] : memref<128xi32, #tpu.memory_space<hbm>> -> memref<8xi32, #tpu.memory_space<hbm>>
        %dma_wait3A_12 = tpu.memref_slice %arg3[%mul3A_4] : memref<128xi32, #tpu.memory_space<hbm>> -> memref<8xi32, #tpu.memory_space<hbm>>
        tpu.wait_dma2 semaphore(%run_scoped3A : memref<!tpu.dma_semaphore, #tpu.memory_space<semaphore_mem>>) src(%dma_wait3A_12 : memref<8xi32, #tpu.memory_space<hbm>>) dst(%arg5 : memref<8xi32, #tpu.memory_space<vmem>>)
        tpu.yield
      }) : () -> ()
      "tpu.region"() ({
        %run_scoped3A = tpu.sem_alloc : memref<!tpu.dma_semaphore, #tpu.memory_space<semaphore_mem>>
        %dma_start3A_9 = arith.constant 0 : i32
        %dma_start3A_10 = tpu.memref_slice %arg2[%mul3A_4, %dma_start3A_9] : memref<128x128xf32, #tpu.memory_space<hbm>> -> memref<8x128xf32, #tpu.memory_space<hbm>>
        %dma_start3A_11 = arith.constant 0 : i32
        %dma_start3A_12 = tpu.memref_slice %arg2[%mul3A_4, %dma_start3A_11] : memref<128x128xf32, #tpu.memory_space<hbm>> -> memref<8x128xf32, #tpu.memory_space<hbm>>
        tpu.enqueue_dma source(%dma_start3A_12 : memref<8x128xf32, #tpu.memory_space<hbm>>) target(%arg6 : memref<8x128xf32, #tpu.memory_space<vmem>>) target_semaphore(%run_scoped3A : memref<!tpu.dma_semaphore, #tpu.memory_space<semaphore_mem>>)
        %dma_wait3A_13 = arith.constant 0 : i32
        %dma_wait3A_14 = tpu.memref_slice %arg2[%mul3A_4, %dma_wait3A_13] : memref<128x128xf32, #tpu.memory_space<hbm>> -> memref<8x128xf32, #tpu.memory_space<hbm>>
        %dma_wait3A_15 = arith.constant 0 : i32
        %dma_wait3A_16 = tpu.memref_slice %arg2[%mul3A_4, %dma_wait3A_15] : memref<128x128xf32, #tpu.memory_space<hbm>> -> memref<8x128xf32, #tpu.memory_space<hbm>>
        tpu.wait_dma2 semaphore(%run_scoped3A : memref<!tpu.dma_semaphore, #tpu.memory_space<semaphore_mem>>) src(%dma_wait3A_16 : memref<8x128xf32, #tpu.memory_space<hbm>>) dst(%arg6 : memref<8x128xf32, #tpu.memory_space<vmem>>)
        tpu.yield
      }) : () -> ()
      %dma_start3A = arith.constant 0 : i32
      %dma_start3A_5 = arith.constant 0 : i32
      %dma_start3A_6 = tpu.memref_slice %arg4[%dma_start3A, %dma_start3A_5] : memref<128x128xf32, #tpu.memory_space<hbm>> -> memref<128x128xf32, #tpu.memory_space<hbm>>
      tpu.enqueue_indirect_dma source(%arg6 : memref<8x128xf32, #tpu.memory_space<vmem>>) target(%dma_start3A_6 : memref<128x128xf32, #tpu.memory_space<hbm>>) offsets(%arg5 : memref<8xi32, #tpu.memory_space<vmem>>) semaphore(%arg7 : memref<!tpu.dma_semaphore, #tpu.memory_space<semaphore_mem>>)
      %dma_wait3A = arith.constant 0 : i32
      %dma_wait3A_7 = arith.constant 0 : i32
      %dma_wait3A_8 = tpu.memref_slice %arg4[%dma_wait3A, %dma_wait3A_7] : memref<128x128xf32, #tpu.memory_space<hbm>> -> memref<128x128xf32, #tpu.memory_space<hbm>>
      tpu.wait_indirect_dma semaphore(%arg7 : memref<!tpu.dma_semaphore, #tpu.memory_space<semaphore_mem>>) src(%arg6 : memref<8x128xf32, #tpu.memory_space<vmem>>) dst(%dma_wait3A_8 : memref<128x128xf32, #tpu.memory_space<hbm>>)
    } else {
    }
    return
  }
}

module attributes {stable_mosaic.version = 14 : i64} {
  func.func @_gemm_kernel(%arg0: i32, %arg1: memref<128x128xf32, #tpu.memory_space<vmem>>, %arg2: memref<1x128x128x128xf32, #tpu.memory_space<vmem>>, %arg3: memref<1x32x128x128xf32, #tpu.memory_space<vmem>>) attributes {dimension_semantics = [#tpu.dimension_semantics<arbitrary>], iteration_bounds = array<i64: 8>, scalar_prefetch = 0 : i64, scratch_operands = 0 : i64, tpu.core_type = #tpu.core_type<tc>, window_params = [{pipeline_mode = #tpu.pipeline_mode<synchronous>, transform_indices = @transform_0, window_bounds = array<i64: 128, 128>}, {transform_indices = @transform_1, window_bounds = array<i64: 1, 128, 128, 128>}, {transform_indices = @transform_2, window_bounds = array<i64: 1, 32, 128, 128>}]} {
    %get3A = arith.constant 0 : index
    %get3A_0 = arith.constant 0 : index
    %get3A_1 = vector.load %arg1[%get3A, %get3A_0] : memref<128x128xf32, #tpu.memory_space<vmem>>, vector<128x32xf32>
    %transpose3A = tpu.transpose %get3A_1, [1, 0] : vector<128x32xf32> -> vector<32x128xf32>
    %convert_element_type3A = arith.truncf %transpose3A : vector<32x128xf32> to vector<32x128xbf16>
    %broadcast_in_dim3A = arith.constant 0.000000e+00 : bf16
    %broadcast_in_dim3A_2 = vector.broadcast %broadcast_in_dim3A : bf16 to vector<32x128xbf16>
    %concatenate3A = tpu.concatenate %convert_element_type3A, %broadcast_in_dim3A_2 in 1 : vector<32x128xbf16>, vector<32x128xbf16> -> vector<32x256xbf16>
    %concatenate3A_3 = tpu.concatenate %broadcast_in_dim3A_2, %convert_element_type3A in 1 : vector<32x128xbf16>, vector<32x128xbf16> -> vector<32x256xbf16>
    %concatenate3A_4 = tpu.concatenate %concatenate3A, %concatenate3A_3 in 0 : vector<32x256xbf16>, vector<32x256xbf16> -> vector<64x256xbf16>
    %get3A_5 = arith.constant 0 : index
    %get3A_6 = arith.constant 0 : index
    %get3A_7 = arith.constant 0 : index
    %get3A_8 = arith.constant 0 : index
    %get3A_9 = vector.load %arg2[%get3A_5, %get3A_6, %get3A_7, %get3A_8] : memref<1x128x128x128xf32, #tpu.memory_space<vmem>>, vector<1x128x128x128xf32>
    %get3A_10 = vector.shape_cast %get3A_9 : vector<1x128x128x128xf32> to vector<128x128x128xf32>
    %convert_element_type3A_11 = arith.truncf %get3A_10 : vector<128x128x128xf32> to vector<128x128x128xbf16>
    %transpose3A_12 = tpu.transpose %convert_element_type3A_11, [1, 0, 2] : vector<128x128x128xbf16> -> vector<128x128x128xbf16>
    %reshape3A = vector.shape_cast %transpose3A_12 : vector<128x128x128xbf16> to vector<16384x128xbf16>
    %slice3A = vector.extract_strided_slice %reshape3A {offsets = [0, 0], sizes = [256, 128], strides = [1, 1]} : vector<16384x128xbf16> to vector<256x128xbf16>
    %dot_general3A = arith.constant dense<0.000000e+00> : vector<64x128xf32>
    %dot_general3A_13 = tpu.matmul %concatenate3A_4, %slice3A, %dot_general3A {dimension_numbers = #tpu.dot_dimension_numbers<[1], [0], [0], [1], [0, 0, 1, 1], [], []>, transpose_lhs_hint = false} : vector<64x256xbf16>, vector<256x128xbf16>, vector<64x128xf32> -> vector<64x128xf32>
    %slice3A_14 = vector.extract_strided_slice %reshape3A {offsets = [256, 0], sizes = [256, 128], strides = [1, 1]} : vector<16384x128xbf16> to vector<256x128xbf16>
    %dot_general3A_15 = arith.constant dense<0.000000e+00> : vector<64x128xf32>
    %dot_general3A_16 = tpu.matmul %concatenate3A_4, %slice3A_14, %dot_general3A_15 {dimension_numbers = #tpu.dot_dimension_numbers<[1], [0], [0], [1], [0, 0, 1, 1], [], []>, transpose_lhs_hint = false} : vector<64x256xbf16>, vector<256x128xbf16>, vector<64x128xf32> -> vector<64x128xf32>
    %slice3A_17 = vector.extract_strided_slice %reshape3A {offsets = [512, 0], sizes = [256, 128], strides = [1, 1]} : vector<16384x128xbf16> to vector<256x128xbf16>
    %dot_general3A_18 = arith.constant dense<0.000000e+00> : vector<64x128xf32>
    %dot_general3A_19 = tpu.matmul %concatenate3A_4, %slice3A_17, %dot_general3A_18 {dimension_numbers = #tpu.dot_dimension_numbers<[1], [0], [0], [1], [0, 0, 1, 1], [], []>, transpose_lhs_hint = false} : vector<64x256xbf16>, vector<256x128xbf16>, vector<64x128xf32> -> vector<64x128xf32>
    %slice3A_20 = vector.extract_strided_slice %reshape3A {offsets = [768, 0], sizes = [256, 128], strides = [1, 1]} : vector<16384x128xbf16> to vector<256x128xbf16>
    %dot_general3A_21 = arith.constant dense<0.000000e+00> : vector<64x128xf32>
    %dot_general3A_22 = tpu.matmul %concatenate3A_4, %slice3A_20, %dot_general3A_21 {dimension_numbers = #tpu.dot_dimension_numbers<[1], [0], [0], [1], [0, 0, 1, 1], [], []>, transpose_lhs_hint = false} : vector<64x256xbf16>, vector<256x128xbf16>, vector<64x128xf32> -> vector<64x128xf32>
    %slice3A_23 = vector.extract_strided_slice %reshape3A {offsets = [1024, 0], sizes = [256, 128], strides = [1, 1]} : vector<16384x128xbf16> to vector<256x128xbf16>
    %dot_general3A_24 = arith.constant dense<0.000000e+00> : vector<64x128xf32>
    %dot_general3A_25 = tpu.matmul %concatenate3A_4, %slice3A_23, %dot_general3A_24 {dimension_numbers = #tpu.dot_dimension_numbers<[1], [0], [0], [1], [0, 0, 1, 1], [], []>, transpose_lhs_hint = false} : vector<64x256xbf16>, vector<256x128xbf16>, vector<64x128xf32> -> vector<64x128xf32>
    %slice3A_26 = vector.extract_strided_slice %reshape3A {offsets = [1280, 0], sizes = [256, 128], strides = [1, 1]} : vector<16384x128xbf16> to vector<256x128xbf16>
    %dot_general3A_27 = arith.constant dense<0.000000e+00> : vector<64x128xf32>
    %dot_general3A_28 = tpu.matmul %concatenate3A_4, %slice3A_26, %dot_general3A_27 {dimension_numbers = #tpu.dot_dimension_numbers<[1], [0], [0], [1], [0, 0, 1, 1], [], []>, transpose_lhs_hint = false} : vector<64x256xbf16>, vector<256x128xbf16>, vector<64x128xf32> -> vector<64x128xf32>
    %slice3A_29 = vector.extract_strided_slice %reshape3A {offsets = [1536, 0], sizes = [256, 128], strides = [1, 1]} : vector<16384x128xbf16> to vector<256x128xbf16>
    %dot_general3A_30 = arith.constant dense<0.000000e+00> : vector<64x128xf32>
    %dot_general3A_31 = tpu.matmul %concatenate3A_4, %slice3A_29, %dot_general3A_30 {dimension_numbers = #tpu.dot_dimension_numbers<[1], [0], [0], [1], [0, 0, 1, 1], [], []>, transpose_lhs_hint = false} : vector<64x256xbf16>, vector<256x128xbf16>, vector<64x128xf32> -> vector<64x128xf32>
    %slice3A_32 = vector.extract_strided_slice %reshape3A {offsets = [1792, 0], sizes = [256, 128], strides = [1, 1]} : vector<16384x128xbf16> to vector<256x128xbf16>
    %dot_general3A_33 = arith.constant dense<0.000000e+00> : vector<64x128xf32>
    %dot_general3A_34 = tpu.matmul %concatenate3A_4, %slice3A_32, %dot_general3A_33 {dimension_numbers = #tpu.dot_dimension_numbers<[1], [0], [0], [1], [0, 0, 1, 1], [], []>, transpose_lhs_hint = false} : vector<64x256xbf16>, vector<256x128xbf16>, vector<64x128xf32> -> vector<64x128xf32>
    %slice3A_35 = vector.extract_strided_slice %reshape3A {offsets = [2048, 0], sizes = [256, 128], strides = [1, 1]} : vector<16384x128xbf16> to vector<256x128xbf16>
    %dot_general3A_36 = arith.constant dense<0.000000e+00> : vector<64x128xf32>
    %dot_general3A_37 = tpu.matmul %concatenate3A_4, %slice3A_35, %dot_general3A_36 {dimension_numbers = #tpu.dot_dimension_numbers<[1], [0], [0], [1], [0, 0, 1, 1], [], []>, transpose_lhs_hint = false} : vector<64x256xbf16>, vector<256x128xbf16>, vector<64x128xf32> -> vector<64x128xf32>
    %slice3A_38 = vector.extract_strided_slice %reshape3A {offsets = [2304, 0], sizes = [256, 128], strides = [1, 1]} : vector<16384x128xbf16> to vector<256x128xbf16>
    %dot_general3A_39 = arith.constant dense<0.000000e+00> : vector<64x128xf32>
    %dot_general3A_40 = tpu.matmul %concatenate3A_4, %slice3A_38, %dot_general3A_39 {dimension_numbers = #tpu.dot_dimension_numbers<[1], [0], [0], [1], [0, 0, 1, 1], [], []>, transpose_lhs_hint = false} : vector<64x256xbf16>, vector<256x128xbf16>, vector<64x128xf32> -> vector<64x128xf32>
    %slice3A_41 = vector.extract_strided_slice %reshape3A {offsets = [2560, 0], sizes = [256, 128], strides = [1, 1]} : vector<16384x128xbf16> to vector<256x128xbf16>
    %dot_general3A_42 = arith.constant dense<0.000000e+00> : vector<64x128xf32>
    %dot_general3A_43 = tpu.matmul %concatenate3A_4, %slice3A_41, %dot_general3A_42 {dimension_numbers = #tpu.dot_dimension_numbers<[1], [0], [0], [1], [0, 0, 1, 1], [], []>, transpose_lhs_hint = false} : vector<64x256xbf16>, vector<256x128xbf16>, vector<64x128xf32> -> vector<64x128xf32>
    %slice3A_44 = vector.extract_strided_slice %reshape3A {offsets = [2816, 0], sizes = [256, 128], strides = [1, 1]} : vector<16384x128xbf16> to vector<256x128xbf16>
    %dot_general3A_45 = arith.constant dense<0.000000e+00> : vector<64x128xf32>
    %dot_general3A_46 = tpu.matmul %concatenate3A_4, %slice3A_44, %dot_general3A_45 {dimension_numbers = #tpu.dot_dimension_numbers<[1], [0], [0], [1], [0, 0, 1, 1], [], []>, transpose_lhs_hint = false} : vector<64x256xbf16>, vector<256x128xbf16>, vector<64x128xf32> -> vector<64x128xf32>
    %slice3A_47 = vector.extract_strided_slice %reshape3A {offsets = [3072, 0], sizes = [256, 128], strides = [1, 1]} : vector<16384x128xbf16> to vector<256x128xbf16>
    %dot_general3A_48 = arith.constant dense<0.000000e+00> : vector<64x128xf32>
    %dot_general3A_49 = tpu.matmul %concatenate3A_4, %slice3A_47, %dot_general3A_48 {dimension_numbers = #tpu.dot_dimension_numbers<[1], [0], [0], [1], [0, 0, 1, 1], [], []>, transpose_lhs_hint = false} : vector<64x256xbf16>, vector<256x128xbf16>, vector<64x128xf32> -> vector<64x128xf32>
    %slice3A_50 = vector.extract_strided_slice %reshape3A {offsets = [3328, 0], sizes = [256, 128], strides = [1, 1]} : vector<16384x128xbf16> to vector<256x128xbf16>
    %dot_general3A_51 = arith.constant dense<0.000000e+00> : vector<64x128xf32>
    %dot_general3A_52 = tpu.matmul %concatenate3A_4, %slice3A_50, %dot_general3A_51 {dimension_numbers = #tpu.dot_dimension_numbers<[1], [0], [0], [1], [0, 0, 1, 1], [], []>, transpose_lhs_hint = false} : vector<64x256xbf16>, vector<256x128xbf16>, vector<64x128xf32> -> vector<64x128xf32>
    %slice3A_53 = vector.extract_strided_slice %reshape3A {offsets = [3584, 0], sizes = [256, 128], strides = [1, 1]} : vector<16384x128xbf16> to vector<256x128xbf16>
    %dot_general3A_54 = arith.constant dense<0.000000e+00> : vector<64x128xf32>
    %dot_general3A_55 = tpu.matmul %concatenate3A_4, %slice3A_53, %dot_general3A_54 {dimension_numbers = #tpu.dot_dimension_numbers<[1], [0], [0], [1], [0, 0, 1, 1], [], []>, transpose_lhs_hint = false} : vector<64x256xbf16>, vector<256x128xbf16>, vector<64x128xf32> -> vector<64x128xf32>
    %slice3A_56 = vector.extract_strided_slice %reshape3A {offsets = [3840, 0], sizes = [256, 128], strides = [1, 1]} : vector<16384x128xbf16> to vector<256x128xbf16>
    %dot_general3A_57 = arith.constant dense<0.000000e+00> : vector<64x128xf32>
    %dot_general3A_58 = tpu.matmul %concatenate3A_4, %slice3A_56, %dot_general3A_57 {dimension_numbers = #tpu.dot_dimension_numbers<[1], [0], [0], [1], [0, 0, 1, 1], [], []>, transpose_lhs_hint = false} : vector<64x256xbf16>, vector<256x128xbf16>, vector<64x128xf32> -> vector<64x128xf32>
    %slice3A_59 = vector.extract_strided_slice %reshape3A {offsets = [4096, 0], sizes = [256, 128], strides = [1, 1]} : vector<16384x128xbf16> to vector<256x128xbf16>
    %dot_general3A_60 = arith.constant dense<0.000000e+00> : vector<64x128xf32>
    %dot_general3A_61 = tpu.matmul %concatenate3A_4, %slice3A_59, %dot_general3A_60 {dimension_numbers = #tpu.dot_dimension_numbers<[1], [0], [0], [1], [0, 0, 1, 1], [], []>, transpose_lhs_hint = false} : vector<64x256xbf16>, vector<256x128xbf16>, vector<64x128xf32> -> vector<64x128xf32>
    %slice3A_62 = vector.extract_strided_slice %reshape3A {offsets = [4352, 0], sizes = [256, 128], strides = [1, 1]} : vector<16384x128xbf16> to vector<256x128xbf16>
    %dot_general3A_63 = arith.constant dense<0.000000e+00> : vector<64x128xf32>
    %dot_general3A_64 = tpu.matmul %concatenate3A_4, %slice3A_62, %dot_general3A_63 {dimension_numbers = #tpu.dot_dimension_numbers<[1], [0], [0], [1], [0, 0, 1, 1], [], []>, transpose_lhs_hint = false} : vector<64x256xbf16>, vector<256x128xbf16>, vector<64x128xf32> -> vector<64x128xf32>
    %slice3A_65 = vector.extract_strided_slice %reshape3A {offsets = [4608, 0], sizes = [256, 128], strides = [1, 1]} : vector<16384x128xbf16> to vector<256x128xbf16>
    %dot_general3A_66 = arith.constant dense<0.000000e+00> : vector<64x128xf32>
    %dot_general3A_67 = tpu.matmul %concatenate3A_4, %slice3A_65, %dot_general3A_66 {dimension_numbers = #tpu.dot_dimension_numbers<[1], [0], [0], [1], [0, 0, 1, 1], [], []>, transpose_lhs_hint = false} : vector<64x256xbf16>, vector<256x128xbf16>, vector<64x128xf32> -> vector<64x128xf32>
    %slice3A_68 = vector.extract_strided_slice %reshape3A {offsets = [4864, 0], sizes = [256, 128], strides = [1, 1]} : vector<16384x128xbf16> to vector<256x128xbf16>
    %dot_general3A_69 = arith.constant dense<0.000000e+00> : vector<64x128xf32>
    %dot_general3A_70 = tpu.matmul %concatenate3A_4, %slice3A_68, %dot_general3A_69 {dimension_numbers = #tpu.dot_dimension_numbers<[1], [0], [0], [1], [0, 0, 1, 1], [], []>, transpose_lhs_hint = false} : vector<64x256xbf16>, vector<256x128xbf16>, vector<64x128xf32> -> vector<64x128xf32>
    %slice3A_71 = vector.extract_strided_slice %reshape3A {offsets = [5120, 0], sizes = [256, 128], strides = [1, 1]} : vector<16384x128xbf16> to vector<256x128xbf16>
    %dot_general3A_72 = arith.constant dense<0.000000e+00> : vector<64x128xf32>
    %dot_general3A_73 = tpu.matmul %concatenate3A_4, %slice3A_71, %dot_general3A_72 {dimension_numbers = #tpu.dot_dimension_numbers<[1], [0], [0], [1], [0, 0, 1, 1], [], []>, transpose_lhs_hint = false} : vector<64x256xbf16>, vector<256x128xbf16>, vector<64x128xf32> -> vector<64x128xf32>
    %slice3A_74 = vector.extract_strided_slice %reshape3A {offsets = [5376, 0], sizes = [256, 128], strides = [1, 1]} : vector<16384x128xbf16> to vector<256x128xbf16>
    %dot_general3A_75 = arith.constant dense<0.000000e+00> : vector<64x128xf32>
    %dot_general3A_76 = tpu.matmul %concatenate3A_4, %slice3A_74, %dot_general3A_75 {dimension_numbers = #tpu.dot_dimension_numbers<[1], [0], [0], [1], [0, 0, 1, 1], [], []>, transpose_lhs_hint = false} : vector<64x256xbf16>, vector<256x128xbf16>, vector<64x128xf32> -> vector<64x128xf32>
    %slice3A_77 = vector.extract_strided_slice %reshape3A {offsets = [5632, 0], sizes = [256, 128], strides = [1, 1]} : vector<16384x128xbf16> to vector<256x128xbf16>
    %dot_general3A_78 = arith.constant dense<0.000000e+00> : vector<64x128xf32>
    %dot_general3A_79 = tpu.matmul %concatenate3A_4, %slice3A_77, %dot_general3A_78 {dimension_numbers = #tpu.dot_dimension_numbers<[1], [0], [0], [1], [0, 0, 1, 1], [], []>, transpose_lhs_hint = false} : vector<64x256xbf16>, vector<256x128xbf16>, vector<64x128xf32> -> vector<64x128xf32>
    %slice3A_80 = vector.extract_strided_slice %reshape3A {offsets = [5888, 0], sizes = [256, 128], strides = [1, 1]} : vector<16384x128xbf16> to vector<256x128xbf16>
    %dot_general3A_81 = arith.constant dense<0.000000e+00> : vector<64x128xf32>
    %dot_general3A_82 = tpu.matmul %concatenate3A_4, %slice3A_80, %dot_general3A_81 {dimension_numbers = #tpu.dot_dimension_numbers<[1], [0], [0], [1], [0, 0, 1, 1], [], []>, transpose_lhs_hint = false} : vector<64x256xbf16>, vector<256x128xbf16>, vector<64x128xf32> -> vector<64x128xf32>
    %slice3A_83 = vector.extract_strided_slice %reshape3A {offsets = [6144, 0], sizes = [256, 128], strides = [1, 1]} : vector<16384x128xbf16> to vector<256x128xbf16>
    %dot_general3A_84 = arith.constant dense<0.000000e+00> : vector<64x128xf32>
    %dot_general3A_85 = tpu.matmul %concatenate3A_4, %slice3A_83, %dot_general3A_84 {dimension_numbers = #tpu.dot_dimension_numbers<[1], [0], [0], [1], [0, 0, 1, 1], [], []>, transpose_lhs_hint = false} : vector<64x256xbf16>, vector<256x128xbf16>, vector<64x128xf32> -> vector<64x128xf32>
    %slice3A_86 = vector.extract_strided_slice %reshape3A {offsets = [6400, 0], sizes = [256, 128], strides = [1, 1]} : vector<16384x128xbf16> to vector<256x128xbf16>
    %dot_general3A_87 = arith.constant dense<0.000000e+00> : vector<64x128xf32>
    %dot_general3A_88 = tpu.matmul %concatenate3A_4, %slice3A_86, %dot_general3A_87 {dimension_numbers = #tpu.dot_dimension_numbers<[1], [0], [0], [1], [0, 0, 1, 1], [], []>, transpose_lhs_hint = false} : vector<64x256xbf16>, vector<256x128xbf16>, vector<64x128xf32> -> vector<64x128xf32>
    %slice3A_89 = vector.extract_strided_slice %reshape3A {offsets = [6656, 0], sizes = [256, 128], strides = [1, 1]} : vector<16384x128xbf16> to vector<256x128xbf16>
    %dot_general3A_90 = arith.constant dense<0.000000e+00> : vector<64x128xf32>
    %dot_general3A_91 = tpu.matmul %concatenate3A_4, %slice3A_89, %dot_general3A_90 {dimension_numbers = #tpu.dot_dimension_numbers<[1], [0], [0], [1], [0, 0, 1, 1], [], []>, transpose_lhs_hint = false} : vector<64x256xbf16>, vector<256x128xbf16>, vector<64x128xf32> -> vector<64x128xf32>
    %slice3A_92 = vector.extract_strided_slice %reshape3A {offsets = [6912, 0], sizes = [256, 128], strides = [1, 1]} : vector<16384x128xbf16> to vector<256x128xbf16>
    %dot_general3A_93 = arith.constant dense<0.000000e+00> : vector<64x128xf32>
    %dot_general3A_94 = tpu.matmul %concatenate3A_4, %slice3A_92, %dot_general3A_93 {dimension_numbers = #tpu.dot_dimension_numbers<[1], [0], [0], [1], [0, 0, 1, 1], [], []>, transpose_lhs_hint = false} : vector<64x256xbf16>, vector<256x128xbf16>, vector<64x128xf32> -> vector<64x128xf32>
    %slice3A_95 = vector.extract_strided_slice %reshape3A {offsets = [7168, 0], sizes = [256, 128], strides = [1, 1]} : vector<16384x128xbf16> to vector<256x128xbf16>
    %dot_general3A_96 = arith.constant dense<0.000000e+00> : vector<64x128xf32>
    %dot_general3A_97 = tpu.matmul %concatenate3A_4, %slice3A_95, %dot_general3A_96 {dimension_numbers = #tpu.dot_dimension_numbers<[1], [0], [0], [1], [0, 0, 1, 1], [], []>, transpose_lhs_hint = false} : vector<64x256xbf16>, vector<256x128xbf16>, vector<64x128xf32> -> vector<64x128xf32>
    %slice3A_98 = vector.extract_strided_slice %reshape3A {offsets = [7424, 0], sizes = [256, 128], strides = [1, 1]} : vector<16384x128xbf16> to vector<256x128xbf16>
    %dot_general3A_99 = arith.constant dense<0.000000e+00> : vector<64x128xf32>
    %dot_general3A_100 = tpu.matmul %concatenate3A_4, %slice3A_98, %dot_general3A_99 {dimension_numbers = #tpu.dot_dimension_numbers<[1], [0], [0], [1], [0, 0, 1, 1], [], []>, transpose_lhs_hint = false} : vector<64x256xbf16>, vector<256x128xbf16>, vector<64x128xf32> -> vector<64x128xf32>
    %slice3A_101 = vector.extract_strided_slice %reshape3A {offsets = [7680, 0], sizes = [256, 128], strides = [1, 1]} : vector<16384x128xbf16> to vector<256x128xbf16>
    %dot_general3A_102 = arith.constant dense<0.000000e+00> : vector<64x128xf32>
    %dot_general3A_103 = tpu.matmul %concatenate3A_4, %slice3A_101, %dot_general3A_102 {dimension_numbers = #tpu.dot_dimension_numbers<[1], [0], [0], [1], [0, 0, 1, 1], [], []>, transpose_lhs_hint = false} : vector<64x256xbf16>, vector<256x128xbf16>, vector<64x128xf32> -> vector<64x128xf32>
    %slice3A_104 = vector.extract_strided_slice %reshape3A {offsets = [7936, 0], sizes = [256, 128], strides = [1, 1]} : vector<16384x128xbf16> to vector<256x128xbf16>
    %dot_general3A_105 = arith.constant dense<0.000000e+00> : vector<64x128xf32>
    %dot_general3A_106 = tpu.matmul %concatenate3A_4, %slice3A_104, %dot_general3A_105 {dimension_numbers = #tpu.dot_dimension_numbers<[1], [0], [0], [1], [0, 0, 1, 1], [], []>, transpose_lhs_hint = false} : vector<64x256xbf16>, vector<256x128xbf16>, vector<64x128xf32> -> vector<64x128xf32>
    %slice3A_107 = vector.extract_strided_slice %reshape3A {offsets = [8192, 0], sizes = [256, 128], strides = [1, 1]} : vector<16384x128xbf16> to vector<256x128xbf16>
    %dot_general3A_108 = arith.constant dense<0.000000e+00> : vector<64x128xf32>
    %dot_general3A_109 = tpu.matmul %concatenate3A_4, %slice3A_107, %dot_general3A_108 {dimension_numbers = #tpu.dot_dimension_numbers<[1], [0], [0], [1], [0, 0, 1, 1], [], []>, transpose_lhs_hint = false} : vector<64x256xbf16>, vector<256x128xbf16>, vector<64x128xf32> -> vector<64x128xf32>
    %slice3A_110 = vector.extract_strided_slice %reshape3A {offsets = [8448, 0], sizes = [256, 128], strides = [1, 1]} : vector<16384x128xbf16> to vector<256x128xbf16>
    %dot_general3A_111 = arith.constant dense<0.000000e+00> : vector<64x128xf32>
    %dot_general3A_112 = tpu.matmul %concatenate3A_4, %slice3A_110, %dot_general3A_111 {dimension_numbers = #tpu.dot_dimension_numbers<[1], [0], [0], [1], [0, 0, 1, 1], [], []>, transpose_lhs_hint = false} : vector<64x256xbf16>, vector<256x128xbf16>, vector<64x128xf32> -> vector<64x128xf32>
    %slice3A_113 = vector.extract_strided_slice %reshape3A {offsets = [8704, 0], sizes = [256, 128], strides = [1, 1]} : vector<16384x128xbf16> to vector<256x128xbf16>
    %dot_general3A_114 = arith.constant dense<0.000000e+00> : vector<64x128xf32>
    %dot_general3A_115 = tpu.matmul %concatenate3A_4, %slice3A_113, %dot_general3A_114 {dimension_numbers = #tpu.dot_dimension_numbers<[1], [0], [0], [1], [0, 0, 1, 1], [], []>, transpose_lhs_hint = false} : vector<64x256xbf16>, vector<256x128xbf16>, vector<64x128xf32> -> vector<64x128xf32>
    %slice3A_116 = vector.extract_strided_slice %reshape3A {offsets = [8960, 0], sizes = [256, 128], strides = [1, 1]} : vector<16384x128xbf16> to vector<256x128xbf16>
    %dot_general3A_117 = arith.constant dense<0.000000e+00> : vector<64x128xf32>
    %dot_general3A_118 = tpu.matmul %concatenate3A_4, %slice3A_116, %dot_general3A_117 {dimension_numbers = #tpu.dot_dimension_numbers<[1], [0], [0], [1], [0, 0, 1, 1], [], []>, transpose_lhs_hint = false} : vector<64x256xbf16>, vector<256x128xbf16>, vector<64x128xf32> -> vector<64x128xf32>
    %slice3A_119 = vector.extract_strided_slice %reshape3A {offsets = [9216, 0], sizes = [256, 128], strides = [1, 1]} : vector<16384x128xbf16> to vector<256x128xbf16>
    %dot_general3A_120 = arith.constant dense<0.000000e+00> : vector<64x128xf32>
    %dot_general3A_121 = tpu.matmul %concatenate3A_4, %slice3A_119, %dot_general3A_120 {dimension_numbers = #tpu.dot_dimension_numbers<[1], [0], [0], [1], [0, 0, 1, 1], [], []>, transpose_lhs_hint = false} : vector<64x256xbf16>, vector<256x128xbf16>, vector<64x128xf32> -> vector<64x128xf32>
    %slice3A_122 = vector.extract_strided_slice %reshape3A {offsets = [9472, 0], sizes = [256, 128], strides = [1, 1]} : vector<16384x128xbf16> to vector<256x128xbf16>
    %dot_general3A_123 = arith.constant dense<0.000000e+00> : vector<64x128xf32>
    %dot_general3A_124 = tpu.matmul %concatenate3A_4, %slice3A_122, %dot_general3A_123 {dimension_numbers = #tpu.dot_dimension_numbers<[1], [0], [0], [1], [0, 0, 1, 1], [], []>, transpose_lhs_hint = false} : vector<64x256xbf16>, vector<256x128xbf16>, vector<64x128xf32> -> vector<64x128xf32>
    %slice3A_125 = vector.extract_strided_slice %reshape3A {offsets = [9728, 0], sizes = [256, 128], strides = [1, 1]} : vector<16384x128xbf16> to vector<256x128xbf16>
    %dot_general3A_126 = arith.constant dense<0.000000e+00> : vector<64x128xf32>
    %dot_general3A_127 = tpu.matmul %concatenate3A_4, %slice3A_125, %dot_general3A_126 {dimension_numbers = #tpu.dot_dimension_numbers<[1], [0], [0], [1], [0, 0, 1, 1], [], []>, transpose_lhs_hint = false} : vector<64x256xbf16>, vector<256x128xbf16>, vector<64x128xf32> -> vector<64x128xf32>
    %slice3A_128 = vector.extract_strided_slice %reshape3A {offsets = [9984, 0], sizes = [256, 128], strides = [1, 1]} : vector<16384x128xbf16> to vector<256x128xbf16>
    %dot_general3A_129 = arith.constant dense<0.000000e+00> : vector<64x128xf32>
    %dot_general3A_130 = tpu.matmul %concatenate3A_4, %slice3A_128, %dot_general3A_129 {dimension_numbers = #tpu.dot_dimension_numbers<[1], [0], [0], [1], [0, 0, 1, 1], [], []>, transpose_lhs_hint = false} : vector<64x256xbf16>, vector<256x128xbf16>, vector<64x128xf32> -> vector<64x128xf32>
    %slice3A_131 = vector.extract_strided_slice %reshape3A {offsets = [10240, 0], sizes = [256, 128], strides = [1, 1]} : vector<16384x128xbf16> to vector<256x128xbf16>
    %dot_general3A_132 = arith.constant dense<0.000000e+00> : vector<64x128xf32>
    %dot_general3A_133 = tpu.matmul %concatenate3A_4, %slice3A_131, %dot_general3A_132 {dimension_numbers = #tpu.dot_dimension_numbers<[1], [0], [0], [1], [0, 0, 1, 1], [], []>, transpose_lhs_hint = false} : vector<64x256xbf16>, vector<256x128xbf16>, vector<64x128xf32> -> vector<64x128xf32>
    %slice3A_134 = vector.extract_strided_slice %reshape3A {offsets = [10496, 0], sizes = [256, 128], strides = [1, 1]} : vector<16384x128xbf16> to vector<256x128xbf16>
    %dot_general3A_135 = arith.constant dense<0.000000e+00> : vector<64x128xf32>
    %dot_general3A_136 = tpu.matmul %concatenate3A_4, %slice3A_134, %dot_general3A_135 {dimension_numbers = #tpu.dot_dimension_numbers<[1], [0], [0], [1], [0, 0, 1, 1], [], []>, transpose_lhs_hint = false} : vector<64x256xbf16>, vector<256x128xbf16>, vector<64x128xf32> -> vector<64x128xf32>
    %slice3A_137 = vector.extract_strided_slice %reshape3A {offsets = [10752, 0], sizes = [256, 128], strides = [1, 1]} : vector<16384x128xbf16> to vector<256x128xbf16>
    %dot_general3A_138 = arith.constant dense<0.000000e+00> : vector<64x128xf32>
    %dot_general3A_139 = tpu.matmul %concatenate3A_4, %slice3A_137, %dot_general3A_138 {dimension_numbers = #tpu.dot_dimension_numbers<[1], [0], [0], [1], [0, 0, 1, 1], [], []>, transpose_lhs_hint = false} : vector<64x256xbf16>, vector<256x128xbf16>, vector<64x128xf32> -> vector<64x128xf32>
    %slice3A_140 = vector.extract_strided_slice %reshape3A {offsets = [11008, 0], sizes = [256, 128], strides = [1, 1]} : vector<16384x128xbf16> to vector<256x128xbf16>
    %dot_general3A_141 = arith.constant dense<0.000000e+00> : vector<64x128xf32>
    %dot_general3A_142 = tpu.matmul %concatenate3A_4, %slice3A_140, %dot_general3A_141 {dimension_numbers = #tpu.dot_dimension_numbers<[1], [0], [0], [1], [0, 0, 1, 1], [], []>, transpose_lhs_hint = false} : vector<64x256xbf16>, vector<256x128xbf16>, vector<64x128xf32> -> vector<64x128xf32>
    %slice3A_143 = vector.extract_strided_slice %reshape3A {offsets = [11264, 0], sizes = [256, 128], strides = [1, 1]} : vector<16384x128xbf16> to vector<256x128xbf16>
    %dot_general3A_144 = arith.constant dense<0.000000e+00> : vector<64x128xf32>
    %dot_general3A_145 = tpu.matmul %concatenate3A_4, %slice3A_143, %dot_general3A_144 {dimension_numbers = #tpu.dot_dimension_numbers<[1], [0], [0], [1], [0, 0, 1, 1], [], []>, transpose_lhs_hint = false} : vector<64x256xbf16>, vector<256x128xbf16>, vector<64x128xf32> -> vector<64x128xf32>
    %slice3A_146 = vector.extract_strided_slice %reshape3A {offsets = [11520, 0], sizes = [256, 128], strides = [1, 1]} : vector<16384x128xbf16> to vector<256x128xbf16>
    %dot_general3A_147 = arith.constant dense<0.000000e+00> : vector<64x128xf32>
    %dot_general3A_148 = tpu.matmul %concatenate3A_4, %slice3A_146, %dot_general3A_147 {dimension_numbers = #tpu.dot_dimension_numbers<[1], [0], [0], [1], [0, 0, 1, 1], [], []>, transpose_lhs_hint = false} : vector<64x256xbf16>, vector<256x128xbf16>, vector<64x128xf32> -> vector<64x128xf32>
    %slice3A_149 = vector.extract_strided_slice %reshape3A {offsets = [11776, 0], sizes = [256, 128], strides = [1, 1]} : vector<16384x128xbf16> to vector<256x128xbf16>
    %dot_general3A_150 = arith.constant dense<0.000000e+00> : vector<64x128xf32>
    %dot_general3A_151 = tpu.matmul %concatenate3A_4, %slice3A_149, %dot_general3A_150 {dimension_numbers = #tpu.dot_dimension_numbers<[1], [0], [0], [1], [0, 0, 1, 1], [], []>, transpose_lhs_hint = false} : vector<64x256xbf16>, vector<256x128xbf16>, vector<64x128xf32> -> vector<64x128xf32>
    %slice3A_152 = vector.extract_strided_slice %reshape3A {offsets = [12032, 0], sizes = [256, 128], strides = [1, 1]} : vector<16384x128xbf16> to vector<256x128xbf16>
    %dot_general3A_153 = arith.constant dense<0.000000e+00> : vector<64x128xf32>
    %dot_general3A_154 = tpu.matmul %concatenate3A_4, %slice3A_152, %dot_general3A_153 {dimension_numbers = #tpu.dot_dimension_numbers<[1], [0], [0], [1], [0, 0, 1, 1], [], []>, transpose_lhs_hint = false} : vector<64x256xbf16>, vector<256x128xbf16>, vector<64x128xf32> -> vector<64x128xf32>
    %slice3A_155 = vector.extract_strided_slice %reshape3A {offsets = [12288, 0], sizes = [256, 128], strides = [1, 1]} : vector<16384x128xbf16> to vector<256x128xbf16>
    %dot_general3A_156 = arith.constant dense<0.000000e+00> : vector<64x128xf32>
    %dot_general3A_157 = tpu.matmul %concatenate3A_4, %slice3A_155, %dot_general3A_156 {dimension_numbers = #tpu.dot_dimension_numbers<[1], [0], [0], [1], [0, 0, 1, 1], [], []>, transpose_lhs_hint = false} : vector<64x256xbf16>, vector<256x128xbf16>, vector<64x128xf32> -> vector<64x128xf32>
    %slice3A_158 = vector.extract_strided_slice %reshape3A {offsets = [12544, 0], sizes = [256, 128], strides = [1, 1]} : vector<16384x128xbf16> to vector<256x128xbf16>
    %dot_general3A_159 = arith.constant dense<0.000000e+00> : vector<64x128xf32>
    %dot_general3A_160 = tpu.matmul %concatenate3A_4, %slice3A_158, %dot_general3A_159 {dimension_numbers = #tpu.dot_dimension_numbers<[1], [0], [0], [1], [0, 0, 1, 1], [], []>, transpose_lhs_hint = false} : vector<64x256xbf16>, vector<256x128xbf16>, vector<64x128xf32> -> vector<64x128xf32>
    %slice3A_161 = vector.extract_strided_slice %reshape3A {offsets = [12800, 0], sizes = [256, 128], strides = [1, 1]} : vector<16384x128xbf16> to vector<256x128xbf16>
    %dot_general3A_162 = arith.constant dense<0.000000e+00> : vector<64x128xf32>
    %dot_general3A_163 = tpu.matmul %concatenate3A_4, %slice3A_161, %dot_general3A_162 {dimension_numbers = #tpu.dot_dimension_numbers<[1], [0], [0], [1], [0, 0, 1, 1], [], []>, transpose_lhs_hint = false} : vector<64x256xbf16>, vector<256x128xbf16>, vector<64x128xf32> -> vector<64x128xf32>
    %slice3A_164 = vector.extract_strided_slice %reshape3A {offsets = [13056, 0], sizes = [256, 128], strides = [1, 1]} : vector<16384x128xbf16> to vector<256x128xbf16>
    %dot_general3A_165 = arith.constant dense<0.000000e+00> : vector<64x128xf32>
    %dot_general3A_166 = tpu.matmul %concatenate3A_4, %slice3A_164, %dot_general3A_165 {dimension_numbers = #tpu.dot_dimension_numbers<[1], [0], [0], [1], [0, 0, 1, 1], [], []>, transpose_lhs_hint = false} : vector<64x256xbf16>, vector<256x128xbf16>, vector<64x128xf32> -> vector<64x128xf32>
    %slice3A_167 = vector.extract_strided_slice %reshape3A {offsets = [13312, 0], sizes = [256, 128], strides = [1, 1]} : vector<16384x128xbf16> to vector<256x128xbf16>
    %dot_general3A_168 = arith.constant dense<0.000000e+00> : vector<64x128xf32>
    %dot_general3A_169 = tpu.matmul %concatenate3A_4, %slice3A_167, %dot_general3A_168 {dimension_numbers = #tpu.dot_dimension_numbers<[1], [0], [0], [1], [0, 0, 1, 1], [], []>, transpose_lhs_hint = false} : vector<64x256xbf16>, vector<256x128xbf16>, vector<64x128xf32> -> vector<64x128xf32>
    %slice3A_170 = vector.extract_strided_slice %reshape3A {offsets = [13568, 0], sizes = [256, 128], strides = [1, 1]} : vector<16384x128xbf16> to vector<256x128xbf16>
    %dot_general3A_171 = arith.constant dense<0.000000e+00> : vector<64x128xf32>
    %dot_general3A_172 = tpu.matmul %concatenate3A_4, %slice3A_170, %dot_general3A_171 {dimension_numbers = #tpu.dot_dimension_numbers<[1], [0], [0], [1], [0, 0, 1, 1], [], []>, transpose_lhs_hint = false} : vector<64x256xbf16>, vector<256x128xbf16>, vector<64x128xf32> -> vector<64x128xf32>
    %slice3A_173 = vector.extract_strided_slice %reshape3A {offsets = [13824, 0], sizes = [256, 128], strides = [1, 1]} : vector<16384x128xbf16> to vector<256x128xbf16>
    %dot_general3A_174 = arith.constant dense<0.000000e+00> : vector<64x128xf32>
    %dot_general3A_175 = tpu.matmul %concatenate3A_4, %slice3A_173, %dot_general3A_174 {dimension_numbers = #tpu.dot_dimension_numbers<[1], [0], [0], [1], [0, 0, 1, 1], [], []>, transpose_lhs_hint = false} : vector<64x256xbf16>, vector<256x128xbf16>, vector<64x128xf32> -> vector<64x128xf32>
    %slice3A_176 = vector.extract_strided_slice %reshape3A {offsets = [14080, 0], sizes = [256, 128], strides = [1, 1]} : vector<16384x128xbf16> to vector<256x128xbf16>
    %dot_general3A_177 = arith.constant dense<0.000000e+00> : vector<64x128xf32>
    %dot_general3A_178 = tpu.matmul %concatenate3A_4, %slice3A_176, %dot_general3A_177 {dimension_numbers = #tpu.dot_dimension_numbers<[1], [0], [0], [1], [0, 0, 1, 1], [], []>, transpose_lhs_hint = false} : vector<64x256xbf16>, vector<256x128xbf16>, vector<64x128xf32> -> vector<64x128xf32>
    %slice3A_179 = vector.extract_strided_slice %reshape3A {offsets = [14336, 0], sizes = [256, 128], strides = [1, 1]} : vector<16384x128xbf16> to vector<256x128xbf16>
    %dot_general3A_180 = arith.constant dense<0.000000e+00> : vector<64x128xf32>
    %dot_general3A_181 = tpu.matmul %concatenate3A_4, %slice3A_179, %dot_general3A_180 {dimension_numbers = #tpu.dot_dimension_numbers<[1], [0], [0], [1], [0, 0, 1, 1], [], []>, transpose_lhs_hint = false} : vector<64x256xbf16>, vector<256x128xbf16>, vector<64x128xf32> -> vector<64x128xf32>
    %slice3A_182 = vector.extract_strided_slice %reshape3A {offsets = [14592, 0], sizes = [256, 128], strides = [1, 1]} : vector<16384x128xbf16> to vector<256x128xbf16>
    %dot_general3A_183 = arith.constant dense<0.000000e+00> : vector<64x128xf32>
    %dot_general3A_184 = tpu.matmul %concatenate3A_4, %slice3A_182, %dot_general3A_183 {dimension_numbers = #tpu.dot_dimension_numbers<[1], [0], [0], [1], [0, 0, 1, 1], [], []>, transpose_lhs_hint = false} : vector<64x256xbf16>, vector<256x128xbf16>, vector<64x128xf32> -> vector<64x128xf32>
    %slice3A_185 = vector.extract_strided_slice %reshape3A {offsets = [14848, 0], sizes = [256, 128], strides = [1, 1]} : vector<16384x128xbf16> to vector<256x128xbf16>
    %dot_general3A_186 = arith.constant dense<0.000000e+00> : vector<64x128xf32>
    %dot_general3A_187 = tpu.matmul %concatenate3A_4, %slice3A_185, %dot_general3A_186 {dimension_numbers = #tpu.dot_dimension_numbers<[1], [0], [0], [1], [0, 0, 1, 1], [], []>, transpose_lhs_hint = false} : vector<64x256xbf16>, vector<256x128xbf16>, vector<64x128xf32> -> vector<64x128xf32>
    %slice3A_188 = vector.extract_strided_slice %reshape3A {offsets = [15104, 0], sizes = [256, 128], strides = [1, 1]} : vector<16384x128xbf16> to vector<256x128xbf16>
    %dot_general3A_189 = arith.constant dense<0.000000e+00> : vector<64x128xf32>
    %dot_general3A_190 = tpu.matmul %concatenate3A_4, %slice3A_188, %dot_general3A_189 {dimension_numbers = #tpu.dot_dimension_numbers<[1], [0], [0], [1], [0, 0, 1, 1], [], []>, transpose_lhs_hint = false} : vector<64x256xbf16>, vector<256x128xbf16>, vector<64x128xf32> -> vector<64x128xf32>
    %slice3A_191 = vector.extract_strided_slice %reshape3A {offsets = [15360, 0], sizes = [256, 128], strides = [1, 1]} : vector<16384x128xbf16> to vector<256x128xbf16>
    %dot_general3A_192 = arith.constant dense<0.000000e+00> : vector<64x128xf32>
    %dot_general3A_193 = tpu.matmul %concatenate3A_4, %slice3A_191, %dot_general3A_192 {dimension_numbers = #tpu.dot_dimension_numbers<[1], [0], [0], [1], [0, 0, 1, 1], [], []>, transpose_lhs_hint = false} : vector<64x256xbf16>, vector<256x128xbf16>, vector<64x128xf32> -> vector<64x128xf32>
    %slice3A_194 = vector.extract_strided_slice %reshape3A {offsets = [15616, 0], sizes = [256, 128], strides = [1, 1]} : vector<16384x128xbf16> to vector<256x128xbf16>
    %dot_general3A_195 = arith.constant dense<0.000000e+00> : vector<64x128xf32>
    %dot_general3A_196 = tpu.matmul %concatenate3A_4, %slice3A_194, %dot_general3A_195 {dimension_numbers = #tpu.dot_dimension_numbers<[1], [0], [0], [1], [0, 0, 1, 1], [], []>, transpose_lhs_hint = false} : vector<64x256xbf16>, vector<256x128xbf16>, vector<64x128xf32> -> vector<64x128xf32>
    %slice3A_197 = vector.extract_strided_slice %reshape3A {offsets = [15872, 0], sizes = [256, 128], strides = [1, 1]} : vector<16384x128xbf16> to vector<256x128xbf16>
    %dot_general3A_198 = arith.constant dense<0.000000e+00> : vector<64x128xf32>
    %dot_general3A_199 = tpu.matmul %concatenate3A_4, %slice3A_197, %dot_general3A_198 {dimension_numbers = #tpu.dot_dimension_numbers<[1], [0], [0], [1], [0, 0, 1, 1], [], []>, transpose_lhs_hint = false} : vector<64x256xbf16>, vector<256x128xbf16>, vector<64x128xf32> -> vector<64x128xf32>
    %slice3A_200 = vector.extract_strided_slice %reshape3A {offsets = [16128, 0], sizes = [256, 128], strides = [1, 1]} : vector<16384x128xbf16> to vector<256x128xbf16>
    %dot_general3A_201 = arith.constant dense<0.000000e+00> : vector<64x128xf32>
    %dot_general3A_202 = tpu.matmul %concatenate3A_4, %slice3A_200, %dot_general3A_201 {dimension_numbers = #tpu.dot_dimension_numbers<[1], [0], [0], [1], [0, 0, 1, 1], [], []>, transpose_lhs_hint = false} : vector<64x256xbf16>, vector<256x128xbf16>, vector<64x128xf32> -> vector<64x128xf32>
    %concatenate3A_203 = tpu.concatenate %dot_general3A_13, %dot_general3A_16, %dot_general3A_19, %dot_general3A_22, %dot_general3A_25, %dot_general3A_28, %dot_general3A_31, %dot_general3A_34, %dot_general3A_37, %dot_general3A_40, %dot_general3A_43, %dot_general3A_46, %dot_general3A_49, %dot_general3A_52, %dot_general3A_55, %dot_general3A_58, %dot_general3A_61, %dot_general3A_64, %dot_general3A_67, %dot_general3A_70, %dot_general3A_73, %dot_general3A_76, %dot_general3A_79, %dot_general3A_82, %dot_general3A_85, %dot_general3A_88, %dot_general3A_91, %dot_general3A_94, %dot_general3A_97, %dot_general3A_100, %dot_general3A_103, %dot_general3A_106, %dot_general3A_109, %dot_general3A_112, %dot_general3A_115, %dot_general3A_118, %dot_general3A_121, %dot_general3A_124, %dot_general3A_127, %dot_general3A_130, %dot_general3A_133, %dot_general3A_136, %dot_general3A_139, %dot_general3A_142, %dot_general3A_145, %dot_general3A_148, %dot_general3A_151, %dot_general3A_154, %dot_general3A_157, %dot_general3A_160, %dot_general3A_163, %dot_general3A_166, %dot_general3A_169, %dot_general3A_172, %dot_general3A_175, %dot_general3A_178, %dot_general3A_181, %dot_general3A_184, %dot_general3A_187, %dot_general3A_190, %dot_general3A_193, %dot_general3A_196, %dot_general3A_199, %dot_general3A_202 in 0 : vector<64x128xf32>, vector<64x128xf32>, vector<64x128xf32>, vector<64x128xf32>, vector<64x128xf32>, vector<64x128xf32>, vector<64x128xf32>, vector<64x128xf32>, vector<64x128xf32>, vector<64x128xf32>, vector<64x128xf32>, vector<64x128xf32>, vector<64x128xf32>, vector<64x128xf32>, vector<64x128xf32>, vector<64x128xf32>, vector<64x128xf32>, vector<64x128xf32>, vector<64x128xf32>, vector<64x128xf32>, vector<64x128xf32>, vector<64x128xf32>, vector<64x128xf32>, vector<64x128xf32>, vector<64x128xf32>, vector<64x128xf32>, vector<64x128xf32>, vector<64x128xf32>, vector<64x128xf32>, vector<64x128xf32>, vector<64x128xf32>, vector<64x128xf32>, vector<64x128xf32>, vector<64x128xf32>, vector<64x128xf32>, vector<64x128xf32>, vector<64x128xf32>, vector<64x128xf32>, vector<64x128xf32>, vector<64x128xf32>, vector<64x128xf32>, vector<64x128xf32>, vector<64x128xf32>, vector<64x128xf32>, vector<64x128xf32>, vector<64x128xf32>, vector<64x128xf32>, vector<64x128xf32>, vector<64x128xf32>, vector<64x128xf32>, vector<64x128xf32>, vector<64x128xf32>, vector<64x128xf32>, vector<64x128xf32>, vector<64x128xf32>, vector<64x128xf32>, vector<64x128xf32>, vector<64x128xf32>, vector<64x128xf32>, vector<64x128xf32>, vector<64x128xf32>, vector<64x128xf32>, vector<64x128xf32>, vector<64x128xf32> -> vector<4096x128xf32>
    %reshape3A_204 = vector.shape_cast %concatenate3A_203 : vector<4096x128xf32> to vector<128x32x128xf32>
    %transpose3A_205 = tpu.transpose %reshape3A_204, [1, 0, 2] : vector<128x32x128xf32> -> vector<32x128x128xf32>
    %swap3A = arith.constant 0 : index
    %swap3A_206 = arith.constant 0 : index
    %swap3A_207 = arith.constant 0 : index
    %swap3A_208 = arith.constant 0 : index
    %swap3A_209 = vector.load %arg3[%swap3A, %swap3A_206, %swap3A_207, %swap3A_208] : memref<1x32x128x128xf32, #tpu.memory_space<vmem>>, vector<1x32x128x128xf32>
    %swap3A_210 = vector.shape_cast %swap3A_209 : vector<1x32x128x128xf32> to vector<32x128x128xf32>
    %swap3A_211 = vector.shape_cast %transpose3A_205 : vector<32x128x128xf32> to vector<1x32x128x128xf32>
    tpu.vector_store %arg3[%swap3A, %swap3A_206, %swap3A_207, %swap3A_208], %swap3A_211 {strides = array<i32>} : memref<1x32x128x128xf32, #tpu.memory_space<vmem>>, vector<1x32x128x128xf32>,
    return
  }
  func.func @transform_0(%arg0: i32) -> (i32, i32) {
    %c0_i32 = arith.constant 0 : i32
    %c0_i32_0 = arith.constant 0 : i32
    %c0_i32_1 = arith.constant 0 : i32
    return %c0_i32, %c0_i32_0 : i32, i32
  }
  func.func @transform_1(%arg0: i32) -> (i32, i32, i32, i32) {
    %c0_i32 = arith.constant 0 : i32
    %c0_i32_0 = arith.constant 0 : i32
    %c0_i32_1 = arith.constant 0 : i32
    %c0_i32_2 = arith.constant 0 : i32
    return %arg0, %c0_i32, %c0_i32_0, %c0_i32_1 : i32, i32, i32, i32
  }
  func.func @transform_2(%arg0: i32) -> (i32, i32, i32, i32) {
    %c0_i32 = arith.constant 0 : i32
    %c0_i32_0 = arith.constant 0 : i32
    %c0_i32_1 = arith.constant 0 : i32
    %c0_i32_2 = arith.constant 0 : i32
    return %arg0, %c0_i32, %c0_i32_0, %c0_i32_1 : i32, i32, i32, i32
  }
}

</mosaic_0001>

<sc_bundles>
// kernel: kernel.4.cloned.1.call-start
scs
__scs_entry_jumppad:
0x0: {  	(pc) =	sbr.rel $0x88, $3  }
0x1: {  	(tag) =	ssettag $0x0;
	lr =	simm.s32 $0x1  }
0x2: {  	[smem:$0x3F9E] =	sst lr;
	_ =	strace $0xD0000000  }
0x3: {  	_ = 	snop  }
0x4: {  	_ = 	snop  }
0x5: {  	_ = 	snop  }
0x6: {  	_ = 	snop  }
0x7: {  	_ = 	snop  }
__scs_overlays_trampoline_lowered:
0x8: {  	[smem:$0x3FAD] =	sst s0  }
0x9: {  	[smem:$0x3FAE] =	sst s1  }
0xa: {  	[smem:$0x3FAF] =	sst s2  }
0xb: {  	[smem:$0x3FB0] =	sst s3  }
0xc: {  	[smem:$0x3FB1] =	sst s4  }
0xd: {  	[smem:$0x3FB2] =	sst s5  }
0xe: {  	[smem:$0x3FB3] =	sst s6  }
0xf: {  	[smem:$0x3FB4] =	sst s7  }
0x10: {  	[smem:$0x3FB5] =	sst s8  }
0x11: {  	[smem:$0x3FB6] =	sst s9;
	s0 =	simm.s32 @!p0 $0x0  }
0x12: {  	s1 =	sld [smem:$0x3F9C];
	s0 =	simm.s32 @p0 $0x1  }
0x13: {  	[smem:$0x3FB7] =	sst s0;
	s0 =	simm.s32 @!p1 $0x0  }
0x14: {  	s2 =	sld [smem:$0x3F9B];
	s0 =	simm.s32 @p1 $0x1  }
0x15: {  	[smem:$0x3FB8] =	sst s0;
	s0 =	simm.s32 @!p2 $0x0  }
0x16: {  	s3 =	sld [smem:$0x3FDB];
	s0 =	simm.s32 @p2 $0x1  }
0x17: {  	s4 =	simm.s32 $0x1BF5;
	[smem:$0x3FBA] =	sst s0  }
0x18: {  	s0 =	sld [smem:$0x3F9D];
	_ =	swait.ge [sflag:s4], $0x0  }
0x19: {  	s7 =	sld [smem:$0x3F9E]  }
0x1a: {  	s8 =	sadd.s32 $0xFFFFE003, lr  }
0x1b: {  	s9 =	sadd.s32 $0xFFFFFEF7, lr;
	s5 =	simm.s32 $0xFFFFFFFF;
	p2 =	slt.u32 s8, $0xFFFFF086  }
0x1c: {  	p1 =	slt.u32 s9, $0xF7A;
	s5 =	simm.s32 @!p2 $0x0  }
0x1d: {  	s5 =	simm.s32 @p1 $0x1;
	p0 =	seq.s32 s7, s2  }
0x1e: {  	s7 =	smul.u32 @!p0 $0xF7A, s2;
	p2 =	seq.s32 @!p0 s5, $0x0  }
0x1f: {  	s9 =	smul.u32 $0xF7A, s1;
	s8 =	simm.s32 @!p0 $0x1BF5;
	p2 =	por !p2, p0  }
0x20: {  	[sflag:s8] =	ssyncset.s32 @!p0 $0xFFFFF086;
	s6 =	sadd.s32 @!p0 s3, s7;
	s7 =	simm.s32 @!p0 $0x108  }
0x21: {  	s3 =	sadd.s32 s3, s9;
	s6 =	sadd.s32 @!p0 $0x88, s6;
	s7 =	simm.s32 @p2 $0x1082  }
0x22: {  	[simem:s7], [sflag:s8] =	dma.local @!p0 [hbm:s6], $0xF7A  }
0x23: {  	s9 =	sor.u32 $0xD0000000, s2;
	s6 =	simm.s32 $0x108;
	_ =	swait.ge @!p0 [sflag:s8], $0x0  }
0x24: {  	s3 =	sadd.s32 $0x88, s3;
	s6 =	simm.s32 @!p1 $0x1082;
	[sflag:s4] =	ssyncset.s32 $0xFFFFF086  }
0x25: {  	[simem:s6], [sflag:s4] =	dma.local [hbm:s3], $0xF7A  }
0x26: {  	[smem:$0x3F9E] =	sst s1;
	(tag) =	ssettag s2;
	_ =	strace s9  }
0x27: {  	s1 =	sld [smem:$0x3FAE]  }
0x28: {  	s2 =	sld [smem:$0x3FAF]  }
0x29: {  	s4 =	sld [smem:$0x3FB1]  }
0x2a: {  	p0 =	seq.s32 s5, $0x0;
	s5 =	sld [smem:$0x3FB2]  }
0x2b: {  	s6 =	sld [smem:$0x3FB3]  }
0x2c: {  	s7 =	sld [smem:$0x3FB4]  }
0x2d: {  	s3 =	simm.s32 $0x108;
	s8 =	sld [smem:$0x3FB5]  }
0x2e: {  	s3 =	simm.s32 @!p0 $0x1082;
	s9 =	sld [smem:$0x3FB6]  }
0x2f: {  	lr =	sadd.s32 s0, s3;
	s0 =	sld [smem:$0x3FAD]  }
0x30: {  	s3 =	sld [smem:$0x3FB0]  }
0x31: {  	[smem:$0x3FB9] =	sst s10  }
0x32: {  	s10 =	sld [smem:$0x3FB7];
	_ =	sdelay $0x3  }
0x33: {  	p0 =	seq.s32 s10, $0x1;
	s10 =	sld [smem:$0x3FB9];
	_ =	sdelay $0x3  }
0x34: {  	[smem:$0x3FB9] =	sst s10  }
0x35: {  	s10 =	sld [smem:$0x3FB8];
	_ =	sdelay $0x3  }
0x36: {  	p1 =	seq.s32 s10, $0x1;
	s10 =	sld [smem:$0x3FB9];
	_ =	sdelay $0x3  }
0x37: {  	[smem:$0x3FB9] =	sst s10  }
0x38: {  	s10 =	sld [smem:$0x3FBA]  }
0x39: {  	_ = 	snop;
	(pc) =	sbr.ind lr, $3  }
0x3a: {  	_ = 	snop  }
0x3b: {  	_ = 	snop  }
0x3c: {  	p2 =	seq.s32 s10, $0x1;
	s10 =	sld [smem:$0x3FB9]  }
0x3d: {  	_ =	shalt  }
0x3e: {  	_ =	shalt  }
0x3f: {  	_ =	shalt  }
0x40: {  	_ =	shalt  }
0x41: {  	_ =	shalt  }
0x42: {  	_ =	shalt  }
0x43: {  	_ =	shalt  }
0x44: {  	_ =	shalt  }
0x45: {  	_ =	shalt  }
0x46: {  	_ =	shalt  }
0x47: {  	_ =	shalt  }
0x48: {  	_ =	shalt  }
0x49: {  	_ =	shalt  }
0x4a: {  	_ =	shalt  }
0x4b: {  	_ =	shalt  }
0x4c: {  	_ =	shalt  }
0x4d: {  	_ =	shalt  }
0x4e: {  	_ =	shalt  }
0x4f: {  	_ =	shalt  }
0x50: {  	_ =	shalt  }
0x51: {  	_ =	shalt  }
0x52: {  	_ =	shalt  }
0x53: {  	_ =	shalt  }
0x54: {  	_ =	shalt  }
0x55: {  	_ =	shalt  }
0x56: {  	_ =	shalt  }
0x57: {  	_ =	shalt  }
0x58: {  	_ =	shalt  }
0x59: {  	_ =	shalt  }
0x5a: {  	_ =	shalt  }
0x5b: {  	_ =	shalt  }
0x5c: {  	_ =	shalt  }
0x5d: {  	_ =	shalt  }
0x5e: {  	_ =	shalt  }
0x5f: {  	_ =	shalt  }
0x60: {  	_ =	shalt  }
0x61: {  	_ =	shalt  }
0x62: {  	_ =	shalt  }
0x63: {  	_ =	shalt  }
0x64: {  	_ =	shalt  }
0x65: {  	_ =	shalt  }
0x66: {  	_ =	shalt  }
0x67: {  	_ =	shalt  }
0x68: {  	_ =	shalt  }
0x69: {  	_ =	shalt  }
0x6a: {  	_ =	shalt  }
0x6b: {  	_ =	shalt  }
0x6c: {  	_ =	shalt  }
0x6d: {  	_ =	shalt  }
0x6e: {  	_ =	shalt  }
0x6f: {  	_ =	shalt  }
0x70: {  	_ =	shalt  }
0x71: {  	_ =	shalt  }
0x72: {  	_ =	shalt  }
0x73: {  	_ =	shalt  }
0x74: {  	_ =	shalt  }
0x75: {  	_ =	shalt  }
0x76: {  	_ =	shalt  }
0x77: {  	_ =	shalt  }
0x78: {  	_ =	shalt  }
0x79: {  	_ =	shalt  }
0x7a: {  	_ =	shalt  }
0x7b: {  	_ =	shalt  }
0x7c: {  	_ =	shalt  }
0x7d: {  	_ =	shalt  }
0x7e: {  	_ =	shalt  }
0x7f: {  	_ =	shalt  }
0x80: {  	_ =	shalt  }
0x81: {  	_ =	shalt  }
0x82: {  	_ =	shalt  }
0x83: {  	_ =	shalt  }
0x84: {  	_ =	shalt  }
0x85: {  	_ =	shalt  }
0x86: {  	_ =	shalt  }
0x87: {  	_ =	shalt  }
.Lfunc_end0:
.L_simem_size_0:
called_computation_lowered:
.L_overlay_start_0:
0x88: {  	s2 =	sld [smem:$0x3FD9]  }
0x89: {  	s3 =	sld [smem:$0x3FFE];
	_ =	sdelay $0x1  }
0x8a: {  	s1 =	srdreg.scid  }
0x8b: {  	s0 =	sand.u32 $0x1, s1  }
0x8c: {  	s17 =	sshll.u32 s0, $0xA;
	s2 =	sadd.s32 s3, s2  }
0x8d: {  	s2 =	sadd.s32 s2, s17  }
0x8e: {  	[smem:$0x3FC5] =	sst s2  }
0x8f: {  	_ = 	snop  }
0x90: {  	s2 =	sld [smem:$0x3FC7]  }
0x91: {  	s18 =	sld [smem:$0x3FD0];
	(tm) =	ssettm $0x1  }
0x92: {  	s4 =	sld [smem:$0x3FFB];
	_ =	sdelay $0x3  }
0x93: {  	_ =	strace s4  }
0x94: {  	s4 =	sld [smem:$0x3FFC];
	_ =	sdelay $0x3  }
0x95: {  	_ =	strace s4  }
0x96: {  	s4 =	sld [smem:$0x3FFD];
	_ =	sdelay $0x3  }
0x97: {  	_ =	strace s4  }
0x98: {  	_ =	strace $0x8FFFFFFF  }
0x99: {  	s19 =	sld [smem:$0x3FDB];
	_ =	sdelay $0x1  }
0x9a: {  	s5 =	simm.s32 $_scs_section_size  }
0x9b: {  	s6 =	simm.s32 $_size__tile_overlayer_lowered;
	s7 =	simm.s32 $_tile_overlayer_lowered  }
0x9c: {  	s22 =	simm.s32 $0x1BFF;
	s21 =	sshll.u32 s7, $0x1;
	s4 =	sadd.s32 s5, s19  }
0x9d: {  	s8 =	simm.s32 $0x0;
	s20 =	sshll.u32 s6, $0x1;
	s6 =	sadd.s32 s21, s4  }
0x9e: {  	[timem:s8], [sflag:s22] =	dma.local [hbm:s6], s20  }
0x9f: {  	_ =	swait.ge [sflag:s22], s20  }
0xa0: {  	s5 =	ssub.s32 $0x0, s20;
	[sflag:s22] =	ssyncset.done $0x0  }
0xa1: {  	[sflag:s22] =	ssyncadd.s32 s5;
	_ =	sdelay $0x1  }
0xa2: {  	s23 =	simm.s32 $0x1B8B  }
0xa3: {  	_ =	swait.ge [sflag:s23], $0x1  }
0xa4: {  	[sflag:s23] =	ssyncset.done $0x0  }
0xa5: {  	s25 =	simm.s32 $0x1B8E;
	s24 =	sld [smem:$0x3FFE];
	[sflag:s23] =	ssyncadd.s32 $0xFFFFFFFF  }
0xa6: {  	s26 =	simm.s32 $execute0_lowered;
	[smem:$0x3FD2] =	sst s25  }
0xa7: {  	s6 =	sshll.u32 s26, $0x1;
	_ =	strace $0x80000046;
	[dreg:$0x1] =	wrdreg $0xFFFFFFFF  }
0xa8: {  	s28 =	simm.s32 $_size_execute0_lowered;
	s4 =	sadd.s32 s4, s6;
	[dreg:$0x0] =	wrdreg $0x0  }
0xa9: {  	s6 =	sshll.u32 s28, $0x1;
	[dreg:$0x2] =	wrdreg s4  }
0xaa: {  	[dreg:$0x3] =	wrdreg s6  }
0xab: {  	[dreg:$0x4] =	wrdreg $0xC0  }
0xac: {  	_ =	task [dreg:s8], $0x5FFFF  }
0xad: {  	[dreg:$0x1] =	wrdreg $0xFFFFFFFF  }
0xae: {  	[dreg:$0x0] =	wrdreg $0x60  }
0xaf: {  	[dreg:$0x2] =	wrdreg s18  }
0xb0: {  	[dreg:$0x3] =	wrdreg s2  }
0xb1: {  	[dreg:$0x4] =	wrdreg s24  }
0xb2: {  	[dreg:$0x5] =	wrdreg $0x9  }
0xb3: {  	_ =	task.clear_ibuf [dreg:s8], $0x6FFFF;
	_ =	strace $0x90000046  }
0xb4: {  	s29 =	simm.s32 $0x9;
	_ =	strace $0x80000048  }
0xb5: {  	_ =	swait.ge [sflag:s29], $0x1  }
0xb6: {  	[sflag:s29] =	ssyncadd.s32 $0xFFFFFFFF  }
0xb7: {  	_ =	strace $0x90000048  }
0xb8: {  	_ =	sfence  }
0xb9: {  	s30 =	sld [smem:$0x0];
	_ =	sdelay $0x2  }
0xba: {  	s31 =	sshll.u32 s1, $0xD;
	s1 =	sshrl.u32 s1, $0x2  }
0xbb: {  	s3 =	sand.u32 $0x4000, s31;
	s1 =	sadd.s32 s1, s30  }
0xbc: {  	s0 =	sor.u32 s3, s0;
	s1 =	sshll.u32 s1, $0x11  }
0xbd: {  	s0 =	sor.u32 s1, s0  }
0xbe: {  	s0 =	sadd.s32 $0x8F2B, s0  }
0xbf: {  	[sflag:s0] =	ssyncadd.remote.s32 $0x1  }
0xc0: {  	_ =	sfence.sel $0xFFFF  }
0xc1: {  	[dreg:$0x0] =	wrdreg $0xFFFFFFFF;
	(pc) =	sbr.abs _section_cstart, $3  }
0xc2: {  	[dreg:$0x1] =	wrdreg $0xFFFFFFFF  }
0xc3: {  	_ =	task.clear_ibuf [dreg:s8], $0x2FFFF;
	_ =	strace $0x9FFFFFFF  }
0xc4: {  	(tm) =	ssettm $0x7FFFFFFF  }
0xc5: {  	_ =	shalt  }
tec
execute0_lowered:
.L_overlay_start_1:
0x0: {  	(tag) =	ssettag $0x1  }
0x1: {  	s1 =	stileid.u32  }
0x2: {  	p0 =	sgt.u32 s1, $0x7  }
.Ltmp0:
0x3: {  	s5 =	rddreg [dreg:$0x0];
	(pc) =	sbr.rel @p0 .LBB2_4-.Ltmp0, $4  }
0x4: {  	s3 =	rddreg [dreg:$0x1]  }
0x5: {  	s7 =	rddreg [dreg:$0x2];
	s2 =	simm.s32 $0x0  }
0x6: {  	[smem:$0x7FF] =	sst s2  }
0x7: {  	s0 =	rddreg [dreg:$0x3];
	_ =	strace $0x80000047  }
0x8: {  	s4 =	srdreg.scid  }
0x9: {  	s30 =	sshll.u32 s1, $0x1;
	s6 =	sand.u32 $0x1, s4  }
0xa: {  	s8 =	sor.u32 s6, s30  }
0xb: {  	s4 =	simm.s32 $0x2;
	s31 =	ssub.s32 $0x2, s6;
	s3 =	sadd.s32 s3, s8  }
0xc: {  	[tilespmem:s2], [sflag:$0x2] =	stream.linear.gather [hbm4b:s3+s2], $0x8, $0x38;
	[tilespmem:$0x480] =	vst v63  }
0xd: {  	s8 =	sshll.u32 s8, $0x7;
	s9 =	sshrl.u32 s31, $0x1;
	_ =	swait.ge [sflag:s4], $0x8  }
0xe: {  	s5 =	sadd.s32 s5, s8;
	s8 =	ssub.s32 s31, s9;
	[sflag:s4] =	ssyncset.done $0x0  }
0xf: {  	s6 =	simm.s32 $0x80;
	s10 =	smax.u32 s8, $0x1;
	[sflag:s4] =	ssyncadd.s32 $0xFFFFFFF8  }
0x10: {  	[tilespmem:s6], [sflag:$0x2] =	stream.linear.gather [hbm4b:s5+s2], $0x400, $0x38;
	[tilespmem:$0x480] =	vst v63  }
0x11: {  	p0 =	sne.s32 s10, $0x1;
	_ =	swait.ge [sflag:s4], $0x400  }
.Ltmp1:
0x12: {  	s7 =	sadd.s32 $0x600, s7;
	[sflag:s4] =	ssyncset.done $0x0;
	(pc) =	sbr.rel @!p0 .LBB2_3-.Ltmp1, $4  }
0x13: {  	s9 =	simm.s32 $0x8;
	s8 =	simm.s32 $0x1;
	[sflag:s4] =	ssyncadd.s32 $0xFFFFFC00  }
0x14: {  	[hbm4b:s7+s9] =	stream.indirect.scatter [tilespmem:s6], [sflag:$0x1], $0x80, s2, s9, $0xb8;
	[tilespmem:$0x480] =	vst v63  }
0x15: {  	_ =	swait.ge [sflag:s8], $0x400  }
0x16: {  	s10 =	sadd.s32 $0xFFFFFFFF, s10;
	[sflag:s8] =	ssyncset.done $0x0  }
.LBB2_2:
0x17: {  	p0 =	sne.s32 s10, $0x1;
	s10 =	sadd.s32 $0xFFFFFFFF, s10;
	[sflag:s8] =	ssyncadd.s32 $0xFFFFFC00  }
0x18: {  	[tilespmem:s2], [sflag:$0x2] =	stream.linear.gather [hbm4b:s3+s2], $0x8, $0x38;
	[tilespmem:$0x480] =	vst v63  }
0x19: {  	_ =	swait.ge [sflag:s4], $0x8  }
0x1a: {  	[sflag:s4] =	ssyncset.done $0x0  }
0x1b: {  	[sflag:s4] =	ssyncadd.s32 $0xFFFFFFF8  }
0x1c: {  	[tilespmem:s6], [sflag:$0x2] =	stream.linear.gather [hbm4b:s5+s2], $0x400, $0x38;
	[tilespmem:$0x480] =	vst v63  }
0x1d: {  	_ =	swait.ge [sflag:s4], $0x400  }
.Ltmp2:
0x1e: {  	[sflag:s4] =	ssyncset.done $0x0;
	(pc) =	sbr.rel @p0 .LBB2_2-.Ltmp2, $4  }
0x1f: {  	[sflag:s4] =	ssyncadd.s32 $0xFFFFFC00  }
0x20: {  	[hbm4b:s7+s9] =	stream.indirect.scatter [tilespmem:s6], [sflag:$0x1], $0x80, s2, s9, $0xb8;
	[tilespmem:$0x480] =	vst v63  }
0x21: {  	_ =	swait.ge [sflag:s8], $0x400  }
0x22: {  	[sflag:s8] =	ssyncset.done $0x0  }
.LBB2_3:
0x23: {  	[sflag:s8] =	ssyncadd.s32 $0xFFFFFC00  }
.LBB2_4:
0x24: {  	_ =	sfence.sel $0x180000  }
0x25: {  	[bflag:$0x0] =	sbarrier.arrive $0xFFFF  }
0x26: {  	p0 =	sne.s32 s1, $0x0;
	_ =	strace $0x90000047  }
0x27: {  	s0 =	sadd.s32 @!p0 $0x100000, s0;
	[bflag:$0x2] =	sbarrier.arrive $0xFFFF  }
0x28: {  	[sflag:s0] =	ssyncadd.tile.s32 @!p0 $0x1;
	_ =	shalt  }
.Lfunc_end2:
_tile_overlayer_lowered:
.L_overlay_start_2:
0x29: {  	(tag) =	ssettag $0x2  }
0x2a: {  	s0 =	rddreg [dreg:$0x0];
	s2 =	stileid.u32  }
0x2b: {  	s1 =	rddreg [dreg:$0x1];
	p0 =	sne.s32 s2, $0x0  }
0x2c: {  	s3 =	rddreg [dreg:$0x2];
	[bflag:$0x3] =	sbarrier.arrive $0xFFFF;
	s2 =	simm.s32 @!p0 $0x1C02  }
0x2d: {  	[timem:s3], [sflag:s2] =	dma.local @!p0 [hbm:s0], s1  }
0x2e: {  	s0 =	simm.s32 @!p0 $0x2  }
0x2f: {  	_ =	swait.ge @!p0 [sflag:s0], s1  }
0x30: {  	s1 =	ssub.s32 @!p0 $0x0, s1;
	[sflag:s0] =	ssyncset.done @!p0 $0x0  }
0x31: {  	[sflag:s0] =	ssyncadd.s32 @!p0 s1  }
0x32: {  	[bflag:$0x3] =	sbarrier.arrive $0xFFFF  }
0x33: {  	_ =	shalt  }

</sc_bundles>
